<compile_context>
chip_gen: v7x
topology: tpu7x:2x2x1
jax: 0.10.2.dev20260603
libtpu: 0.0.44.dev20260713+nightly
codegen_flags: <defaults>
</compile_context>

<pallas_src>
import functools

import jax
import jax.numpy as jnp
from jax import lax
from jax.experimental import pallas as pl
from jax.experimental.pallas import tpu as pltpu
from jax.experimental.pallas import tpu_sc as plsc

_N_EDGE = 32640
_TILES = 255
_CH_T = 17
_CH_IN = _CH_T * 128
_CH_OUT = _CH_T * 1024
_N_CH = _TILES // _CH_T


def _edge_sc_body(x_hbm, out_hbm, xbuf, obuf):
    wid = lax.axis_index("c") * 16 + lax.axis_index("s")
    neg = jnp.full((16,), -100.0, jnp.float32)
    hun = jnp.full((16,), 100.0, jnp.float32)
    iota = lax.iota(jnp.int32, 16)

    def fill(k, carry):
        obuf[pl.ds(k * 16, 16)] = neg
        return carry

    lax.fori_loop(0, _CH_OUT // 16, fill, 0)

    def scatter_pass(vec):
        def per_tile(t, carry):
            for j in range(8):
                xv = xbuf[pl.ds(t * 128 + j * 16, 16)]
                idx = t * 1024 + j * 16 + xv * 128 + iota
                plsc.store_scatter(obuf, [idx], vec)
            return carry

        lax.fori_loop(0, _CH_T, per_tile, 0)

    def per_batch(bi, carry):
        b = wid * 2 + bi

        def per_chunk(c, carry2):
            pltpu.sync_copy(
                x_hbm.at[pl.ds(b * _N_EDGE + c * _CH_IN, _CH_IN)], xbuf
            )
            scatter_pass(hun)
            pltpu.sync_copy(
                obuf,
                out_hbm.at[pl.ds(b * (_TILES * 1024) + c * _CH_OUT, _CH_OUT)],
            )
            scatter_pass(neg)
            return carry2

        lax.fori_loop(0, _N_CH, per_chunk, 0)
        return carry

    lax.fori_loop(0, 2, per_batch, 0)


def _node_kernel(x_ref, node_ref):
    xf = x_ref[...].astype(jnp.float32)
    lane = jax.lax.broadcasted_iota(jnp.int32, (1, 128), 1).astype(jnp.float32)
    ones = jnp.ones((1, 128), dtype=jnp.float32)
    for k in range(8):
        xn = xf[k : k + 1, :]
        col = jax.lax.dot_general(
            xn,
            ones,
            dimension_numbers=(((0,), (0,)), ((), ())),
            preferred_element_type=jnp.float32,
        )
        node_ref[k] = jnp.where(col == lane, 100.0, -100.0)


def kernel(tokens, pad_mask, t, x0):
    B = x0.shape[0]
    node = pl.pallas_call(
        _node_kernel,
        grid=(B // 8,),
        in_specs=[pl.BlockSpec((8, 256), lambda i: (i, 0))],
        out_specs=pl.BlockSpec((8, 256, 128), lambda i: (i, 0, 0)),
        out_shape=jax.ShapeDtypeStruct((B, 256, 128), jnp.float32),
    )(x0[:, :256])

    x_lin = x0[:, 256:].reshape(-1)
    mesh = plsc.VectorSubcoreMesh(core_axis_name="c", subcore_axis_name="s")
    edge_fn = functools.partial(
        pl.kernel,
        out_type=jax.ShapeDtypeStruct((B * _N_EDGE * 8,), jnp.float32),
        scratch_types=[
            pltpu.VMEM((_CH_IN,), jnp.int32),
            pltpu.VMEM((_CH_OUT,), jnp.float32),
        ],
        mesh=mesh,
        compiler_params=pltpu.CompilerParams(needs_layout_passes=False),
    )(_edge_sc_body)
    edge1d = edge_fn(x_lin)
    edge = (
        edge1d.reshape(B, _TILES, 8, 128)
        .transpose(0, 1, 3, 2)
        .reshape(B, _N_EDGE, 8)
    )
    return node, edge

# --- scband reference (transcript-rebuilt; emitter-appended) ---
"""Pipeline reference for scband-perfect-denoiser-13400297963682 (READ-ONLY COPY).

The authoritative reference and input builder live on the scoring server;
editing this copy changes nothing except your own understanding.
"""

import jax, jax.numpy as jnp
import numpy as np

B = 64
N_MAX = 256
N_EDGES = N_MAX * (N_MAX - 1) // 2  # 32640
SEQ = N_MAX + N_EDGES  # 32896
NODE_VOCAB = 128
EDGE_VOCAB = 8


def setup_inputs(seed: int = 0) -> dict:
    key = jax.random.key(seed)
    k1, k2, k3 = jax.random.split(key, 3)
    tokens = jax.random.randint(k1, (B, SEQ), 0, EDGE_VOCAB)
    pad_mask = jnp.ones((B, SEQ), dtype=bool)
    t = jax.random.uniform(k3, (B,), dtype=jnp.float32)
    # x0: ground-truth token ids held by the module (constructor arg). Values < EDGE_VOCAB <= NODE_VOCAB so all indices are in range.
    x0 = jax.random.randint(k2, (B, SEQ), 0, EDGE_VOCAB)
    return {"tokens": tokens, "pad_mask": pad_mask, "t": t, "x0": x0}


def reference(tokens, pad_mask, t, x0):
    Bc = tokens.shape[0]
    b_idx = jnp.arange(Bc)[:, None]
    # node logits: scatter-overwrite one-hot +100 into a -100 filled buffer
    node_pos = jnp.arange(N_MAX)[None, :]
    node_logits = jnp.full((Bc, N_MAX, NODE_VOCAB), -100.0, dtype=jnp.float32)
    node_logits = node_logits.at[b_idx, node_pos, x0[:, :N_MAX]].set(100.0)
    # edge logits
    n_edges = tokens.shape[1] - N_MAX
    edge_pos = jnp.arange(n_edges)[None, :]
    edge_logits = jnp.full((Bc, n_edges, EDGE_VOCAB), -100.0, dtype=jnp.float32)
    edge_logits = edge_logits.at[b_idx, edge_pos, x0[:, N_MAX:]].set(100.0)
    return (node_logits, edge_logits)

if __name__ == "__main__":
    import jax
    _d = setup_inputs()
    print(jax.jit(kernel)(*tuple(_d.values())))

</pallas_src>

<mosaic_0001>
#map = affine_map<(d0, d1) -> (0)>
module attributes {stable_mosaic.version = 14 : i64} {
  func.func @_edge_sc_body(%arg0: i32, %arg1: i32, %arg2: memref<2088960xi32, #tpu.memory_space<hbm>>, %arg3: memref<16711680xf32, #tpu.memory_space<hbm>>, %arg4: memref<2176xi32, #tpu.memory_space<vmem>>, %arg5: memref<17408xf32, #tpu.memory_space<vmem>>) attributes {dimension_semantics = [#tpu.dimension_semantics<core_parallel>, #tpu.dimension_semantics<subcore_parallel>], iteration_bounds = array<i64: 2, 16>, scalar_prefetch = 0 : i64, scratch_operands = 2 : i64, tpu.core_type = #tpu.core_type<sc_vector_subcore>, window_params = [{transform_indices = #map}, {transform_indices = #map}]} {
    %mul3A = arith.constant 16 : i32
    %mul3A_0 = arith.muli %arg0, %mul3A : i32
    %add3A = arith.addi %mul3A_0, %arg1 : i32
    %broadcast_in_dim3A = arith.constant -1.000000e+02 : f32
    %broadcast_in_dim3A_1 = vector.broadcast %broadcast_in_dim3A : f32 to vector<16xf32>
    %broadcast_in_dim3A_2 = arith.constant 1.000000e+02 : f32
    %broadcast_in_dim3A_3 = vector.broadcast %broadcast_in_dim3A_2 : f32 to vector<16xf32>
    %iota3A = tpu.iota {dimensions = array<i32: 0>} : vector<16xi32>
    %scan3A = arith.constant 0 : i32
    %scan3A_4 = arith.constant 0 : i32
    %scan3A_5 = arith.constant 1088 : i32
    %scan3A_6 = arith.addi %scan3A_4, %scan3A_5 : i32
    %scan3A_7 = arith.constant 1 : i32
    scf.for %scan3A_15 = %scan3A_4 to %scan3A_6 step %scan3A_7  : i32 {
      %mul3A_16 = arith.constant 16 : i32
      %mul3A_17 = arith.muli %scan3A_15, %mul3A_16 : i32
      %swap3A = arith.index_cast %mul3A_17 : i32 to index
      %swap3A_18 = tpu.vector_load %arg5[%swap3A] {strides = array<i32>} : memref<17408xf32, #tpu.memory_space<vmem>>, vector<16xf32>,
      tpu.vector_store %arg5[%swap3A], %broadcast_in_dim3A_1 {strides = array<i32>} : memref<17408xf32, #tpu.memory_space<vmem>>, vector<16xf32>,
    }
    %scan3A_8 = arith.constant 1088 : i32
    %scan3A_9 = arith.constant 0 : i32
    %scan3A_10 = arith.constant 0 : i32
    %scan3A_11 = arith.constant 2 : i32
    %scan3A_12 = arith.addi %scan3A_10, %scan3A_11 : i32
    %scan3A_13 = arith.constant 1 : i32
    scf.for %scan3A_15 = %scan3A_10 to %scan3A_12 step %scan3A_13  : i32 {
      %mul3A_16 = arith.constant 2 : i32
      %mul3A_17 = arith.muli %add3A, %mul3A_16 : i32
      %add3A_18 = arith.addi %mul3A_17, %scan3A_15 : i32
      %scan3A_19 = arith.constant 0 : i32
      %scan3A_20 = arith.constant 0 : i32
      %scan3A_21 = arith.constant 15 : i32
      %scan3A_22 = arith.addi %scan3A_20, %scan3A_21 : i32
      %scan3A_23 = arith.constant 1 : i32
      scf.for %scan3A_25 = %scan3A_20 to %scan3A_22 step %scan3A_23  : i32 {
        %mul3A_26 = arith.constant 32640 : i32
        %mul3A_27 = arith.muli %add3A_18, %mul3A_26 : i32
        %mul3A_28 = arith.constant 2176 : i32
        %mul3A_29 = arith.muli %scan3A_25, %mul3A_28 : i32
        %add3A_30 = arith.addi %mul3A_27, %mul3A_29 : i32
        "tpu.region"() ({
          %run_scoped3A = tpu.sem_alloc : memref<!tpu.dma_semaphore, #tpu.memory_space<semaphore_mem>>
          %dma_start3A = tpu.memref_slice %arg2[%add3A_30] : memref<2088960xi32, #tpu.memory_space<hbm>> -> memref<2176xi32, #tpu.memory_space<hbm>>
          %dma_start3A_48 = tpu.memref_slice %arg2[%add3A_30] : memref<2088960xi32, #tpu.memory_space<hbm>> -> memref<2176xi32, #tpu.memory_space<hbm>>
          tpu.enqueue_dma source(%dma_start3A_48 : memref<2176xi32, #tpu.memory_space<hbm>>) target(%arg4 : memref<2176xi32, #tpu.memory_space<vmem>>) target_semaphore(%run_scoped3A : memref<!tpu.dma_semaphore, #tpu.memory_space<semaphore_mem>>)
          %dma_wait3A = tpu.memref_slice %arg2[%add3A_30] : memref<2088960xi32, #tpu.memory_space<hbm>> -> memref<2176xi32, #tpu.memory_space<hbm>>
          %dma_wait3A_49 = tpu.memref_slice %arg2[%add3A_30] : memref<2088960xi32, #tpu.memory_space<hbm>> -> memref<2176xi32, #tpu.memory_space<hbm>>
          tpu.wait_dma2 semaphore(%run_scoped3A : memref<!tpu.dma_semaphore, #tpu.memory_space<semaphore_mem>>) src(%dma_wait3A_49 : memref<2176xi32, #tpu.memory_space<hbm>>) dst(%arg4 : memref<2176xi32, #tpu.memory_space<vmem>>)
          tpu.yield
        }) : () -> ()
        %scan3A_31 = arith.constant 0 : i32
        %scan3A_32 = arith.constant 0 : i32
        %scan3A_33 = arith.constant 17 : i32
        %scan3A_34 = arith.addi %scan3A_32, %scan3A_33 : i32
        %scan3A_35 = arith.constant 1 : i32
        scf.for %scan3A_48 = %scan3A_32 to %scan3A_34 step %scan3A_35  : i32 {
          %mul3A_49 = arith.constant 128 : i32
          %mul3A_50 = arith.muli %scan3A_48, %mul3A_49 : i32
          %add3A_51 = arith.constant 0 : i32
          %add3A_52 = arith.addi %mul3A_50, %add3A_51 : i32
          %get3A = arith.index_cast %add3A_52 : i32 to index
          %get3A_53 = tpu.vector_load %arg4[%get3A] {strides = array<i32>} : memref<2176xi32, #tpu.memory_space<vmem>>, vector<16xi32>,
          %mul3A_54 = arith.constant 1024 : i32
          %mul3A_55 = arith.muli %scan3A_48, %mul3A_54 : i32
          %add3A_56 = arith.constant 0 : i32
          %add3A_57 = arith.addi %mul3A_55, %add3A_56 : i32
          %mul3A_58 = arith.constant 128 : i32
          %mul3A_59 = vector.broadcast %mul3A_58 : i32 to vector<16xi32>
          %mul3A_60 = arith.muli %get3A_53, %mul3A_59 : vector<16xi32>
          %add3A_61 = vector.broadcast %add3A_57 : i32 to vector<16xi32>
          %add3A_62 = arith.addi %add3A_61, %mul3A_60 : vector<16xi32>
          %add3A_63 = arith.addi %add3A_62, %iota3A : vector<16xi32>
          tpu.vector_store_idx %arg5[%add3A_63], %broadcast_in_dim3A_3 : memref<17408xf32, #tpu.memory_space<vmem>>[vector<16xi32>], vector<16xf32>,
          %mul3A_64 = arith.constant 128 : i32
          %mul3A_65 = arith.muli %scan3A_48, %mul3A_64 : i32
          %add3A_66 = arith.constant 16 : i32
          %add3A_67 = arith.addi %mul3A_65, %add3A_66 : i32
          %get3A_68 = arith.index_cast %add3A_67 : i32 to index
          %get3A_69 = tpu.vector_load %arg4[%get3A_68] {strides = array<i32>} : memref<2176xi32, #tpu.memory_space<vmem>>, vector<16xi32>,
          %mul3A_70 = arith.constant 1024 : i32
          %mul3A_71 = arith.muli %scan3A_48, %mul3A_70 : i32
          %add3A_72 = arith.constant 16 : i32
          %add3A_73 = arith.addi %mul3A_71, %add3A_72 : i32
          %mul3A_74 = arith.constant 128 : i32
          %mul3A_75 = vector.broadcast %mul3A_74 : i32 to vector<16xi32>
          %mul3A_76 = arith.muli %get3A_69, %mul3A_75 : vector<16xi32>
          %add3A_77 = vector.broadcast %add3A_73 : i32 to vector<16xi32>
          %add3A_78 = arith.addi %add3A_77, %mul3A_76 : vector<16xi32>
          %add3A_79 = arith.addi %add3A_78, %iota3A : vector<16xi32>
          tpu.vector_store_idx %arg5[%add3A_79], %broadcast_in_dim3A_3 : memref<17408xf32, #tpu.memory_space<vmem>>[vector<16xi32>], vector<16xf32>,
          %mul3A_80 = arith.constant 128 : i32
          %mul3A_81 = arith.muli %scan3A_48, %mul3A_80 : i32
          %add3A_82 = arith.constant 32 : i32
          %add3A_83 = arith.addi %mul3A_81, %add3A_82 : i32
          %get3A_84 = arith.index_cast %add3A_83 : i32 to index
          %get3A_85 = tpu.vector_load %arg4[%get3A_84] {strides = array<i32>} : memref<2176xi32, #tpu.memory_space<vmem>>, vector<16xi32>,
          %mul3A_86 = arith.constant 1024 : i32
          %mul3A_87 = arith.muli %scan3A_48, %mul3A_86 : i32
          %add3A_88 = arith.constant 32 : i32
          %add3A_89 = arith.addi %mul3A_87, %add3A_88 : i32
          %mul3A_90 = arith.constant 128 : i32
          %mul3A_91 = vector.broadcast %mul3A_90 : i32 to vector<16xi32>
          %mul3A_92 = arith.muli %get3A_85, %mul3A_91 : vector<16xi32>
          %add3A_93 = vector.broadcast %add3A_89 : i32 to vector<16xi32>
          %add3A_94 = arith.addi %add3A_93, %mul3A_92 : vector<16xi32>
          %add3A_95 = arith.addi %add3A_94, %iota3A : vector<16xi32>
          tpu.vector_store_idx %arg5[%add3A_95], %broadcast_in_dim3A_3 : memref<17408xf32, #tpu.memory_space<vmem>>[vector<16xi32>], vector<16xf32>,
          %mul3A_96 = arith.constant 128 : i32
          %mul3A_97 = arith.muli %scan3A_48, %mul3A_96 : i32
          %add3A_98 = arith.constant 48 : i32
          %add3A_99 = arith.addi %mul3A_97, %add3A_98 : i32
          %get3A_100 = arith.index_cast %add3A_99 : i32 to index
          %get3A_101 = tpu.vector_load %arg4[%get3A_100] {strides = array<i32>} : memref<2176xi32, #tpu.memory_space<vmem>>, vector<16xi32>,
          %mul3A_102 = arith.constant 1024 : i32
          %mul3A_103 = arith.muli %scan3A_48, %mul3A_102 : i32
          %add3A_104 = arith.constant 48 : i32
          %add3A_105 = arith.addi %mul3A_103, %add3A_104 : i32
          %mul3A_106 = arith.constant 128 : i32
          %mul3A_107 = vector.broadcast %mul3A_106 : i32 to vector<16xi32>
          %mul3A_108 = arith.muli %get3A_101, %mul3A_107 : vector<16xi32>
          %add3A_109 = vector.broadcast %add3A_105 : i32 to vector<16xi32>
          %add3A_110 = arith.addi %add3A_109, %mul3A_108 : vector<16xi32>
          %add3A_111 = arith.addi %add3A_110, %iota3A : vector<16xi32>
          tpu.vector_store_idx %arg5[%add3A_111], %broadcast_in_dim3A_3 : memref<17408xf32, #tpu.memory_space<vmem>>[vector<16xi32>], vector<16xf32>,
          %mul3A_112 = arith.constant 128 : i32
          %mul3A_113 = arith.muli %scan3A_48, %mul3A_112 : i32
          %add3A_114 = arith.constant 64 : i32
          %add3A_115 = arith.addi %mul3A_113, %add3A_114 : i32
          %get3A_116 = arith.index_cast %add3A_115 : i32 to index
          %get3A_117 = tpu.vector_load %arg4[%get3A_116] {strides = array<i32>} : memref<2176xi32, #tpu.memory_space<vmem>>, vector<16xi32>,
          %mul3A_118 = arith.constant 1024 : i32
          %mul3A_119 = arith.muli %scan3A_48, %mul3A_118 : i32
          %add3A_120 = arith.constant 64 : i32
          %add3A_121 = arith.addi %mul3A_119, %add3A_120 : i32
          %mul3A_122 = arith.constant 128 : i32
          %mul3A_123 = vector.broadcast %mul3A_122 : i32 to vector<16xi32>
          %mul3A_124 = arith.muli %get3A_117, %mul3A_123 : vector<16xi32>
          %add3A_125 = vector.broadcast %add3A_121 : i32 to vector<16xi32>
          %add3A_126 = arith.addi %add3A_125, %mul3A_124 : vector<16xi32>
          %add3A_127 = arith.addi %add3A_126, %iota3A : vector<16xi32>
          tpu.vector_store_idx %arg5[%add3A_127], %broadcast_in_dim3A_3 : memref<17408xf32, #tpu.memory_space<vmem>>[vector<16xi32>], vector<16xf32>,
          %mul3A_128 = arith.constant 128 : i32
          %mul3A_129 = arith.muli %scan3A_48, %mul3A_128 : i32
          %add3A_130 = arith.constant 80 : i32
          %add3A_131 = arith.addi %mul3A_129, %add3A_130 : i32
          %get3A_132 = arith.index_cast %add3A_131 : i32 to index
          %get3A_133 = tpu.vector_load %arg4[%get3A_132] {strides = array<i32>} : memref<2176xi32, #tpu.memory_space<vmem>>, vector<16xi32>,
          %mul3A_134 = arith.constant 1024 : i32
          %mul3A_135 = arith.muli %scan3A_48, %mul3A_134 : i32
          %add3A_136 = arith.constant 80 : i32
          %add3A_137 = arith.addi %mul3A_135, %add3A_136 : i32
          %mul3A_138 = arith.constant 128 : i32
          %mul3A_139 = vector.broadcast %mul3A_138 : i32 to vector<16xi32>
          %mul3A_140 = arith.muli %get3A_133, %mul3A_139 : vector<16xi32>
          %add3A_141 = vector.broadcast %add3A_137 : i32 to vector<16xi32>
          %add3A_142 = arith.addi %add3A_141, %mul3A_140 : vector<16xi32>
          %add3A_143 = arith.addi %add3A_142, %iota3A : vector<16xi32>
          tpu.vector_store_idx %arg5[%add3A_143], %broadcast_in_dim3A_3 : memref<17408xf32, #tpu.memory_space<vmem>>[vector<16xi32>], vector<16xf32>,
          %mul3A_144 = arith.constant 128 : i32
          %mul3A_145 = arith.muli %scan3A_48, %mul3A_144 : i32
          %add3A_146 = arith.constant 96 : i32
          %add3A_147 = arith.addi %mul3A_145, %add3A_146 : i32
          %get3A_148 = arith.index_cast %add3A_147 : i32 to index
          %get3A_149 = tpu.vector_load %arg4[%get3A_148] {strides = array<i32>} : memref<2176xi32, #tpu.memory_space<vmem>>, vector<16xi32>,
          %mul3A_150 = arith.constant 1024 : i32
          %mul3A_151 = arith.muli %scan3A_48, %mul3A_150 : i32
          %add3A_152 = arith.constant 96 : i32
          %add3A_153 = arith.addi %mul3A_151, %add3A_152 : i32
          %mul3A_154 = arith.constant 128 : i32
          %mul3A_155 = vector.broadcast %mul3A_154 : i32 to vector<16xi32>
          %mul3A_156 = arith.muli %get3A_149, %mul3A_155 : vector<16xi32>
          %add3A_157 = vector.broadcast %add3A_153 : i32 to vector<16xi32>
          %add3A_158 = arith.addi %add3A_157, %mul3A_156 : vector<16xi32>
          %add3A_159 = arith.addi %add3A_158, %iota3A : vector<16xi32>
          tpu.vector_store_idx %arg5[%add3A_159], %broadcast_in_dim3A_3 : memref<17408xf32, #tpu.memory_space<vmem>>[vector<16xi32>], vector<16xf32>,
          %mul3A_160 = arith.constant 128 : i32
          %mul3A_161 = arith.muli %scan3A_48, %mul3A_160 : i32
          %add3A_162 = arith.constant 112 : i32
          %add3A_163 = arith.addi %mul3A_161, %add3A_162 : i32
          %get3A_164 = arith.index_cast %add3A_163 : i32 to index
          %get3A_165 = tpu.vector_load %arg4[%get3A_164] {strides = array<i32>} : memref<2176xi32, #tpu.memory_space<vmem>>, vector<16xi32>,
          %mul3A_166 = arith.constant 1024 : i32
          %mul3A_167 = arith.muli %scan3A_48, %mul3A_166 : i32
          %add3A_168 = arith.constant 112 : i32
          %add3A_169 = arith.addi %mul3A_167, %add3A_168 : i32
          %mul3A_170 = arith.constant 128 : i32
          %mul3A_171 = vector.broadcast %mul3A_170 : i32 to vector<16xi32>
          %mul3A_172 = arith.muli %get3A_165, %mul3A_171 : vector<16xi32>
          %add3A_173 = vector.broadcast %add3A_169 : i32 to vector<16xi32>
          %add3A_174 = arith.addi %add3A_173, %mul3A_172 : vector<16xi32>
          %add3A_175 = arith.addi %add3A_174, %iota3A : vector<16xi32>
          tpu.vector_store_idx %arg5[%add3A_175], %broadcast_in_dim3A_3 : memref<17408xf32, #tpu.memory_space<vmem>>[vector<16xi32>], vector<16xf32>,
        }
        %scan3A_36 = arith.constant 17 : i32
        %mul3A_37 = arith.constant 261120 : i32
        %mul3A_38 = arith.muli %add3A_18, %mul3A_37 : i32
        %mul3A_39 = arith.constant 17408 : i32
        %mul3A_40 = arith.muli %scan3A_25, %mul3A_39 : i32
        %add3A_41 = arith.addi %mul3A_38, %mul3A_40 : i32
        "tpu.region"() ({
          %run_scoped3A = tpu.sem_alloc : memref<!tpu.dma_semaphore, #tpu.memory_space<semaphore_mem>>
          %dma_start3A = tpu.memref_slice %arg3[%add3A_41] : memref<16711680xf32, #tpu.memory_space<hbm>> -> memref<17408xf32, #tpu.memory_space<hbm>>
          %dma_start3A_48 = tpu.memref_slice %arg3[%add3A_41] : memref<16711680xf32, #tpu.memory_space<hbm>> -> memref<17408xf32, #tpu.memory_space<hbm>>
          tpu.enqueue_dma source(%arg5 : memref<17408xf32, #tpu.memory_space<vmem>>) target(%dma_start3A_48 : memref<17408xf32, #tpu.memory_space<hbm>>) target_semaphore(%run_scoped3A : memref<!tpu.dma_semaphore, #tpu.memory_space<semaphore_mem>>)
          %dma_wait3A = tpu.memref_slice %arg3[%add3A_41] : memref<16711680xf32, #tpu.memory_space<hbm>> -> memref<17408xf32, #tpu.memory_space<hbm>>
          %dma_wait3A_49 = tpu.memref_slice %arg3[%add3A_41] : memref<16711680xf32, #tpu.memory_space<hbm>> -> memref<17408xf32, #tpu.memory_space<hbm>>
          tpu.wait_dma2 semaphore(%run_scoped3A : memref<!tpu.dma_semaphore, #tpu.memory_space<semaphore_mem>>) src(%arg5 : memref<17408xf32, #tpu.memory_space<vmem>>) dst(%dma_wait3A_49 : memref<17408xf32, #tpu.memory_space<hbm>>)
          tpu.yield
        }) : () -> ()
        %scan3A_42 = arith.constant 0 : i32
        %scan3A_43 = arith.constant 0 : i32
        %scan3A_44 = arith.constant 17 : i32
        %scan3A_45 = arith.addi %scan3A_43, %scan3A_44 : i32
        %scan3A_46 = arith.constant 1 : i32
        scf.for %scan3A_48 = %scan3A_43 to %scan3A_45 step %scan3A_46  : i32 {
          %mul3A_49 = arith.constant 128 : i32
          %mul3A_50 = arith.muli %scan3A_48, %mul3A_49 : i32
          %add3A_51 = arith.constant 0 : i32
          %add3A_52 = arith.addi %mul3A_50, %add3A_51 : i32
          %get3A = arith.index_cast %add3A_52 : i32 to index
          %get3A_53 = tpu.vector_load %arg4[%get3A] {strides = array<i32>} : memref<2176xi32, #tpu.memory_space<vmem>>, vector<16xi32>,
          %mul3A_54 = arith.constant 1024 : i32
          %mul3A_55 = arith.muli %scan3A_48, %mul3A_54 : i32
          %add3A_56 = arith.constant 0 : i32
          %add3A_57 = arith.addi %mul3A_55, %add3A_56 : i32
          %mul3A_58 = arith.constant 128 : i32
          %mul3A_59 = vector.broadcast %mul3A_58 : i32 to vector<16xi32>
          %mul3A_60 = arith.muli %get3A_53, %mul3A_59 : vector<16xi32>
          %add3A_61 = vector.broadcast %add3A_57 : i32 to vector<16xi32>
          %add3A_62 = arith.addi %add3A_61, %mul3A_60 : vector<16xi32>
          %add3A_63 = arith.addi %add3A_62, %iota3A : vector<16xi32>
          tpu.vector_store_idx %arg5[%add3A_63], %broadcast_in_dim3A_1 : memref<17408xf32, #tpu.memory_space<vmem>>[vector<16xi32>], vector<16xf32>,
          %mul3A_64 = arith.constant 128 : i32
          %mul3A_65 = arith.muli %scan3A_48, %mul3A_64 : i32
          %add3A_66 = arith.constant 16 : i32
          %add3A_67 = arith.addi %mul3A_65, %add3A_66 : i32
          %get3A_68 = arith.index_cast %add3A_67 : i32 to index
          %get3A_69 = tpu.vector_load %arg4[%get3A_68] {strides = array<i32>} : memref<2176xi32, #tpu.memory_space<vmem>>, vector<16xi32>,
          %mul3A_70 = arith.constant 1024 : i32
          %mul3A_71 = arith.muli %scan3A_48, %mul3A_70 : i32
          %add3A_72 = arith.constant 16 : i32
          %add3A_73 = arith.addi %mul3A_71, %add3A_72 : i32
          %mul3A_74 = arith.constant 128 : i32
          %mul3A_75 = vector.broadcast %mul3A_74 : i32 to vector<16xi32>
          %mul3A_76 = arith.muli %get3A_69, %mul3A_75 : vector<16xi32>
          %add3A_77 = vector.broadcast %add3A_73 : i32 to vector<16xi32>
          %add3A_78 = arith.addi %add3A_77, %mul3A_76 : vector<16xi32>
          %add3A_79 = arith.addi %add3A_78, %iota3A : vector<16xi32>
          tpu.vector_store_idx %arg5[%add3A_79], %broadcast_in_dim3A_1 : memref<17408xf32, #tpu.memory_space<vmem>>[vector<16xi32>], vector<16xf32>,
          %mul3A_80 = arith.constant 128 : i32
          %mul3A_81 = arith.muli %scan3A_48, %mul3A_80 : i32
          %add3A_82 = arith.constant 32 : i32
          %add3A_83 = arith.addi %mul3A_81, %add3A_82 : i32
          %get3A_84 = arith.index_cast %add3A_83 : i32 to index
          %get3A_85 = tpu.vector_load %arg4[%get3A_84] {strides = array<i32>} : memref<2176xi32, #tpu.memory_space<vmem>>, vector<16xi32>,
          %mul3A_86 = arith.constant 1024 : i32
          %mul3A_87 = arith.muli %scan3A_48, %mul3A_86 : i32
          %add3A_88 = arith.constant 32 : i32
          %add3A_89 = arith.addi %mul3A_87, %add3A_88 : i32
          %mul3A_90 = arith.constant 128 : i32
          %mul3A_91 = vector.broadcast %mul3A_90 : i32 to vector<16xi32>
          %mul3A_92 = arith.muli %get3A_85, %mul3A_91 : vector<16xi32>
          %add3A_93 = vector.broadcast %add3A_89 : i32 to vector<16xi32>
          %add3A_94 = arith.addi %add3A_93, %mul3A_92 : vector<16xi32>
          %add3A_95 = arith.addi %add3A_94, %iota3A : vector<16xi32>
          tpu.vector_store_idx %arg5[%add3A_95], %broadcast_in_dim3A_1 : memref<17408xf32, #tpu.memory_space<vmem>>[vector<16xi32>], vector<16xf32>,
          %mul3A_96 = arith.constant 128 : i32
          %mul3A_97 = arith.muli %scan3A_48, %mul3A_96 : i32
          %add3A_98 = arith.constant 48 : i32
          %add3A_99 = arith.addi %mul3A_97, %add3A_98 : i32
          %get3A_100 = arith.index_cast %add3A_99 : i32 to index
          %get3A_101 = tpu.vector_load %arg4[%get3A_100] {strides = array<i32>} : memref<2176xi32, #tpu.memory_space<vmem>>, vector<16xi32>,
          %mul3A_102 = arith.constant 1024 : i32
          %mul3A_103 = arith.muli %scan3A_48, %mul3A_102 : i32
          %add3A_104 = arith.constant 48 : i32
          %add3A_105 = arith.addi %mul3A_103, %add3A_104 : i32
          %mul3A_106 = arith.constant 128 : i32
          %mul3A_107 = vector.broadcast %mul3A_106 : i32 to vector<16xi32>
          %mul3A_108 = arith.muli %get3A_101, %mul3A_107 : vector<16xi32>
          %add3A_109 = vector.broadcast %add3A_105 : i32 to vector<16xi32>
          %add3A_110 = arith.addi %add3A_109, %mul3A_108 : vector<16xi32>
          %add3A_111 = arith.addi %add3A_110, %iota3A : vector<16xi32>
          tpu.vector_store_idx %arg5[%add3A_111], %broadcast_in_dim3A_1 : memref<17408xf32, #tpu.memory_space<vmem>>[vector<16xi32>], vector<16xf32>,
          %mul3A_112 = arith.constant 128 : i32
          %mul3A_113 = arith.muli %scan3A_48, %mul3A_112 : i32
          %add3A_114 = arith.constant 64 : i32
          %add3A_115 = arith.addi %mul3A_113, %add3A_114 : i32
          %get3A_116 = arith.index_cast %add3A_115 : i32 to index
          %get3A_117 = tpu.vector_load %arg4[%get3A_116] {strides = array<i32>} : memref<2176xi32, #tpu.memory_space<vmem>>, vector<16xi32>,
          %mul3A_118 = arith.constant 1024 : i32
          %mul3A_119 = arith.muli %scan3A_48, %mul3A_118 : i32
          %add3A_120 = arith.constant 64 : i32
          %add3A_121 = arith.addi %mul3A_119, %add3A_120 : i32
          %mul3A_122 = arith.constant 128 : i32
          %mul3A_123 = vector.broadcast %mul3A_122 : i32 to vector<16xi32>
          %mul3A_124 = arith.muli %get3A_117, %mul3A_123 : vector<16xi32>
          %add3A_125 = vector.broadcast %add3A_121 : i32 to vector<16xi32>
          %add3A_126 = arith.addi %add3A_125, %mul3A_124 : vector<16xi32>
          %add3A_127 = arith.addi %add3A_126, %iota3A : vector<16xi32>
          tpu.vector_store_idx %arg5[%add3A_127], %broadcast_in_dim3A_1 : memref<17408xf32, #tpu.memory_space<vmem>>[vector<16xi32>], vector<16xf32>,
          %mul3A_128 = arith.constant 128 : i32
          %mul3A_129 = arith.muli %scan3A_48, %mul3A_128 : i32
          %add3A_130 = arith.constant 80 : i32
          %add3A_131 = arith.addi %mul3A_129, %add3A_130 : i32
          %get3A_132 = arith.index_cast %add3A_131 : i32 to index
          %get3A_133 = tpu.vector_load %arg4[%get3A_132] {strides = array<i32>} : memref<2176xi32, #tpu.memory_space<vmem>>, vector<16xi32>,
          %mul3A_134 = arith.constant 1024 : i32
          %mul3A_135 = arith.muli %scan3A_48, %mul3A_134 : i32
          %add3A_136 = arith.constant 80 : i32
          %add3A_137 = arith.addi %mul3A_135, %add3A_136 : i32
          %mul3A_138 = arith.constant 128 : i32
          %mul3A_139 = vector.broadcast %mul3A_138 : i32 to vector<16xi32>
          %mul3A_140 = arith.muli %get3A_133, %mul3A_139 : vector<16xi32>
          %add3A_141 = vector.broadcast %add3A_137 : i32 to vector<16xi32>
          %add3A_142 = arith.addi %add3A_141, %mul3A_140 : vector<16xi32>
          %add3A_143 = arith.addi %add3A_142, %iota3A : vector<16xi32>
          tpu.vector_store_idx %arg5[%add3A_143], %broadcast_in_dim3A_1 : memref<17408xf32, #tpu.memory_space<vmem>>[vector<16xi32>], vector<16xf32>,
          %mul3A_144 = arith.constant 128 : i32
          %mul3A_145 = arith.muli %scan3A_48, %mul3A_144 : i32
          %add3A_146 = arith.constant 96 : i32
          %add3A_147 = arith.addi %mul3A_145, %add3A_146 : i32
          %get3A_148 = arith.index_cast %add3A_147 : i32 to index
          %get3A_149 = tpu.vector_load %arg4[%get3A_148] {strides = array<i32>} : memref<2176xi32, #tpu.memory_space<vmem>>, vector<16xi32>,
          %mul3A_150 = arith.constant 1024 : i32
          %mul3A_151 = arith.muli %scan3A_48, %mul3A_150 : i32
          %add3A_152 = arith.constant 96 : i32
          %add3A_153 = arith.addi %mul3A_151, %add3A_152 : i32
          %mul3A_154 = arith.constant 128 : i32
          %mul3A_155 = vector.broadcast %mul3A_154 : i32 to vector<16xi32>
          %mul3A_156 = arith.muli %get3A_149, %mul3A_155 : vector<16xi32>
          %add3A_157 = vector.broadcast %add3A_153 : i32 to vector<16xi32>
          %add3A_158 = arith.addi %add3A_157, %mul3A_156 : vector<16xi32>
          %add3A_159 = arith.addi %add3A_158, %iota3A : vector<16xi32>
          tpu.vector_store_idx %arg5[%add3A_159], %broadcast_in_dim3A_1 : memref<17408xf32, #tpu.memory_space<vmem>>[vector<16xi32>], vector<16xf32>,
          %mul3A_160 = arith.constant 128 : i32
          %mul3A_161 = arith.muli %scan3A_48, %mul3A_160 : i32
          %add3A_162 = arith.constant 112 : i32
          %add3A_163 = arith.addi %mul3A_161, %add3A_162 : i32
          %get3A_164 = arith.index_cast %add3A_163 : i32 to index
          %get3A_165 = tpu.vector_load %arg4[%get3A_164] {strides = array<i32>} : memref<2176xi32, #tpu.memory_space<vmem>>, vector<16xi32>,
          %mul3A_166 = arith.constant 1024 : i32
          %mul3A_167 = arith.muli %scan3A_48, %mul3A_166 : i32
          %add3A_168 = arith.constant 112 : i32
          %add3A_169 = arith.addi %mul3A_167, %add3A_168 : i32
          %mul3A_170 = arith.constant 128 : i32
          %mul3A_171 = vector.broadcast %mul3A_170 : i32 to vector<16xi32>
          %mul3A_172 = arith.muli %get3A_165, %mul3A_171 : vector<16xi32>
          %add3A_173 = vector.broadcast %add3A_169 : i32 to vector<16xi32>
          %add3A_174 = arith.addi %add3A_173, %mul3A_172 : vector<16xi32>
          %add3A_175 = arith.addi %add3A_174, %iota3A : vector<16xi32>
          tpu.vector_store_idx %arg5[%add3A_175], %broadcast_in_dim3A_1 : memref<17408xf32, #tpu.memory_space<vmem>>[vector<16xi32>], vector<16xf32>,
        }
        %scan3A_47 = arith.constant 17 : i32
      }
      %scan3A_24 = arith.constant 15 : i32
    }
    %scan3A_14 = arith.constant 2 : i32
    return
  }
}

module attributes {stable_mosaic.version = 14 : i64} {
  func.func @_node_kernel(%arg0: i32, %arg1: memref<8x256xi32, #tpu.memory_space<vmem>>, %arg2: memref<8x256x128xf32, #tpu.memory_space<vmem>>) attributes {dimension_semantics = [#tpu.dimension_semantics<arbitrary>], iteration_bounds = array<i64: 8>, scalar_prefetch = 0 : i64, scratch_operands = 0 : i64, tpu.core_type = #tpu.core_type<tc>, window_params = [{transform_indices = @transform_0, window_bounds = array<i64: 8, 256>}, {transform_indices = @transform_1, window_bounds = array<i64: 8, 256, 128>}]} {
    %get3A = arith.constant 0 : index
    %get3A_0 = arith.constant 0 : index
    %get3A_1 = vector.load %arg1[%get3A, %get3A_0] : memref<8x256xi32, #tpu.memory_space<vmem>>, vector<8x256xi32>
    %convert_element_type3A = arith.sitofp %get3A_1 : vector<8x256xi32> to vector<8x256xf32>
    %iota3A = tpu.iota {dimensions = array<i32: 1>} : vector<1x128xi32>
    %convert_element_type3A_2 = arith.sitofp %iota3A : vector<1x128xi32> to vector<1x128xf32>
    %broadcast_in_dim3A = arith.constant 1.000000e+00 : f32
    %broadcast_in_dim3A_3 = vector.broadcast %broadcast_in_dim3A : f32 to vector<1x128xf32>
    %slice3A = vector.extract_strided_slice %convert_element_type3A {offsets = [0, 0], sizes = [1, 256], strides = [1, 1]} : vector<8x256xf32> to vector<1x256xf32>
    %dot_general3A = arith.constant dense<0.000000e+00> : vector<256x128xf32>
    %dot_general3A_4 = tpu.matmul %slice3A, %broadcast_in_dim3A_3, %dot_general3A {dimension_numbers = #tpu.dot_dimension_numbers<[0], [0], [1], [1], [0, 1, 1, 1], [], []>, transpose_lhs_hint = false} : vector<1x256xf32>, vector<1x128xf32>, vector<256x128xf32> -> vector<256x128xf32>
    %eq3A = vector.broadcast %convert_element_type3A_2 : vector<1x128xf32> to vector<256x128xf32>
    %eq3A_5 = arith.cmpf oeq, %dot_general3A_4, %eq3A : vector<256x128xf32>
    %jit3A = arith.constant 1.000000e+02 : f32
    %jit3A_6 = arith.constant -1.000000e+02 : f32
    %broadcast_in_dim3A_7 = vector.broadcast %jit3A : f32 to vector<256x128xf32>
    %broadcast_in_dim3A_8 = vector.broadcast %jit3A_6 : f32 to vector<256x128xf32>
    %select_n3A = arith.select %eq3A_5, %broadcast_in_dim3A_7, %broadcast_in_dim3A_8 : vector<256x128xi1>, vector<256x128xf32>
    %swap3A = arith.constant 0 : index
    %swap3A_9 = arith.constant 0 : index
    %swap3A_10 = arith.constant 0 : index
    %swap3A_11 = vector.load %arg2[%swap3A, %swap3A_9, %swap3A_10] : memref<8x256x128xf32, #tpu.memory_space<vmem>>, vector<1x256x128xf32>
    %swap3A_12 = vector.shape_cast %swap3A_11 : vector<1x256x128xf32> to vector<256x128xf32>
    %swap3A_13 = vector.shape_cast %select_n3A : vector<256x128xf32> to vector<1x256x128xf32>
    tpu.vector_store %arg2[%swap3A, %swap3A_9, %swap3A_10], %swap3A_13 {strides = array<i32>} : memref<8x256x128xf32, #tpu.memory_space<vmem>>, vector<1x256x128xf32>,
    %slice3A_14 = vector.extract_strided_slice %convert_element_type3A {offsets = [1, 0], sizes = [1, 256], strides = [1, 1]} : vector<8x256xf32> to vector<1x256xf32>
    %dot_general3A_15 = arith.constant dense<0.000000e+00> : vector<256x128xf32>
    %dot_general3A_16 = tpu.matmul %slice3A_14, %broadcast_in_dim3A_3, %dot_general3A_15 {dimension_numbers = #tpu.dot_dimension_numbers<[0], [0], [1], [1], [0, 1, 1, 1], [], []>, transpose_lhs_hint = false} : vector<1x256xf32>, vector<1x128xf32>, vector<256x128xf32> -> vector<256x128xf32>
    %eq3A_17 = vector.broadcast %convert_element_type3A_2 : vector<1x128xf32> to vector<256x128xf32>
    %eq3A_18 = arith.cmpf oeq, %dot_general3A_16, %eq3A_17 : vector<256x128xf32>
    %jit3A_19 = arith.constant 1.000000e+02 : f32
    %jit3A_20 = arith.constant -1.000000e+02 : f32
    %broadcast_in_dim3A_21 = vector.broadcast %jit3A_19 : f32 to vector<256x128xf32>
    %broadcast_in_dim3A_22 = vector.broadcast %jit3A_20 : f32 to vector<256x128xf32>
    %select_n3A_23 = arith.select %eq3A_18, %broadcast_in_dim3A_21, %broadcast_in_dim3A_22 : vector<256x128xi1>, vector<256x128xf32>
    %swap3A_24 = arith.constant 1 : index
    %swap3A_25 = arith.constant 0 : index
    %swap3A_26 = arith.constant 0 : index
    %swap3A_27 = vector.load %arg2[%swap3A_24, %swap3A_25, %swap3A_26] : memref<8x256x128xf32, #tpu.memory_space<vmem>>, vector<1x256x128xf32>
    %swap3A_28 = vector.shape_cast %swap3A_27 : vector<1x256x128xf32> to vector<256x128xf32>
    %swap3A_29 = vector.shape_cast %select_n3A_23 : vector<256x128xf32> to vector<1x256x128xf32>
    tpu.vector_store %arg2[%swap3A_24, %swap3A_25, %swap3A_26], %swap3A_29 {strides = array<i32>} : memref<8x256x128xf32, #tpu.memory_space<vmem>>, vector<1x256x128xf32>,
    %slice3A_30 = vector.extract_strided_slice %convert_element_type3A {offsets = [2, 0], sizes = [1, 256], strides = [1, 1]} : vector<8x256xf32> to vector<1x256xf32>
    %dot_general3A_31 = arith.constant dense<0.000000e+00> : vector<256x128xf32>
    %dot_general3A_32 = tpu.matmul %slice3A_30, %broadcast_in_dim3A_3, %dot_general3A_31 {dimension_numbers = #tpu.dot_dimension_numbers<[0], [0], [1], [1], [0, 1, 1, 1], [], []>, transpose_lhs_hint = false} : vector<1x256xf32>, vector<1x128xf32>, vector<256x128xf32> -> vector<256x128xf32>
    %eq3A_33 = vector.broadcast %convert_element_type3A_2 : vector<1x128xf32> to vector<256x128xf32>
    %eq3A_34 = arith.cmpf oeq, %dot_general3A_32, %eq3A_33 : vector<256x128xf32>
    %jit3A_35 = arith.constant 1.000000e+02 : f32
    %jit3A_36 = arith.constant -1.000000e+02 : f32
    %broadcast_in_dim3A_37 = vector.broadcast %jit3A_35 : f32 to vector<256x128xf32>
    %broadcast_in_dim3A_38 = vector.broadcast %jit3A_36 : f32 to vector<256x128xf32>
    %select_n3A_39 = arith.select %eq3A_34, %broadcast_in_dim3A_37, %broadcast_in_dim3A_38 : vector<256x128xi1>, vector<256x128xf32>
    %swap3A_40 = arith.constant 2 : index
    %swap3A_41 = arith.constant 0 : index
    %swap3A_42 = arith.constant 0 : index
    %swap3A_43 = vector.load %arg2[%swap3A_40, %swap3A_41, %swap3A_42] : memref<8x256x128xf32, #tpu.memory_space<vmem>>, vector<1x256x128xf32>
    %swap3A_44 = vector.shape_cast %swap3A_43 : vector<1x256x128xf32> to vector<256x128xf32>
    %swap3A_45 = vector.shape_cast %select_n3A_39 : vector<256x128xf32> to vector<1x256x128xf32>
    tpu.vector_store %arg2[%swap3A_40, %swap3A_41, %swap3A_42], %swap3A_45 {strides = array<i32>} : memref<8x256x128xf32, #tpu.memory_space<vmem>>, vector<1x256x128xf32>,
    %slice3A_46 = vector.extract_strided_slice %convert_element_type3A {offsets = [3, 0], sizes = [1, 256], strides = [1, 1]} : vector<8x256xf32> to vector<1x256xf32>
    %dot_general3A_47 = arith.constant dense<0.000000e+00> : vector<256x128xf32>
    %dot_general3A_48 = tpu.matmul %slice3A_46, %broadcast_in_dim3A_3, %dot_general3A_47 {dimension_numbers = #tpu.dot_dimension_numbers<[0], [0], [1], [1], [0, 1, 1, 1], [], []>, transpose_lhs_hint = false} : vector<1x256xf32>, vector<1x128xf32>, vector<256x128xf32> -> vector<256x128xf32>
    %eq3A_49 = vector.broadcast %convert_element_type3A_2 : vector<1x128xf32> to vector<256x128xf32>
    %eq3A_50 = arith.cmpf oeq, %dot_general3A_48, %eq3A_49 : vector<256x128xf32>
    %jit3A_51 = arith.constant 1.000000e+02 : f32
    %jit3A_52 = arith.constant -1.000000e+02 : f32
    %broadcast_in_dim3A_53 = vector.broadcast %jit3A_51 : f32 to vector<256x128xf32>
    %broadcast_in_dim3A_54 = vector.broadcast %jit3A_52 : f32 to vector<256x128xf32>
    %select_n3A_55 = arith.select %eq3A_50, %broadcast_in_dim3A_53, %broadcast_in_dim3A_54 : vector<256x128xi1>, vector<256x128xf32>
    %swap3A_56 = arith.constant 3 : index
    %swap3A_57 = arith.constant 0 : index
    %swap3A_58 = arith.constant 0 : index
    %swap3A_59 = vector.load %arg2[%swap3A_56, %swap3A_57, %swap3A_58] : memref<8x256x128xf32, #tpu.memory_space<vmem>>, vector<1x256x128xf32>
    %swap3A_60 = vector.shape_cast %swap3A_59 : vector<1x256x128xf32> to vector<256x128xf32>
    %swap3A_61 = vector.shape_cast %select_n3A_55 : vector<256x128xf32> to vector<1x256x128xf32>
    tpu.vector_store %arg2[%swap3A_56, %swap3A_57, %swap3A_58], %swap3A_61 {strides = array<i32>} : memref<8x256x128xf32, #tpu.memory_space<vmem>>, vector<1x256x128xf32>,
    %slice3A_62 = vector.extract_strided_slice %convert_element_type3A {offsets = [4, 0], sizes = [1, 256], strides = [1, 1]} : vector<8x256xf32> to vector<1x256xf32>
    %dot_general3A_63 = arith.constant dense<0.000000e+00> : vector<256x128xf32>
    %dot_general3A_64 = tpu.matmul %slice3A_62, %broadcast_in_dim3A_3, %dot_general3A_63 {dimension_numbers = #tpu.dot_dimension_numbers<[0], [0], [1], [1], [0, 1, 1, 1], [], []>, transpose_lhs_hint = false} : vector<1x256xf32>, vector<1x128xf32>, vector<256x128xf32> -> vector<256x128xf32>
    %eq3A_65 = vector.broadcast %convert_element_type3A_2 : vector<1x128xf32> to vector<256x128xf32>
    %eq3A_66 = arith.cmpf oeq, %dot_general3A_64, %eq3A_65 : vector<256x128xf32>
    %jit3A_67 = arith.constant 1.000000e+02 : f32
    %jit3A_68 = arith.constant -1.000000e+02 : f32
    %broadcast_in_dim3A_69 = vector.broadcast %jit3A_67 : f32 to vector<256x128xf32>
    %broadcast_in_dim3A_70 = vector.broadcast %jit3A_68 : f32 to vector<256x128xf32>
    %select_n3A_71 = arith.select %eq3A_66, %broadcast_in_dim3A_69, %broadcast_in_dim3A_70 : vector<256x128xi1>, vector<256x128xf32>
    %swap3A_72 = arith.constant 4 : index
    %swap3A_73 = arith.constant 0 : index
    %swap3A_74 = arith.constant 0 : index
    %swap3A_75 = vector.load %arg2[%swap3A_72, %swap3A_73, %swap3A_74] : memref<8x256x128xf32, #tpu.memory_space<vmem>>, vector<1x256x128xf32>
    %swap3A_76 = vector.shape_cast %swap3A_75 : vector<1x256x128xf32> to vector<256x128xf32>
    %swap3A_77 = vector.shape_cast %select_n3A_71 : vector<256x128xf32> to vector<1x256x128xf32>
    tpu.vector_store %arg2[%swap3A_72, %swap3A_73, %swap3A_74], %swap3A_77 {strides = array<i32>} : memref<8x256x128xf32, #tpu.memory_space<vmem>>, vector<1x256x128xf32>,
    %slice3A_78 = vector.extract_strided_slice %convert_element_type3A {offsets = [5, 0], sizes = [1, 256], strides = [1, 1]} : vector<8x256xf32> to vector<1x256xf32>
    %dot_general3A_79 = arith.constant dense<0.000000e+00> : vector<256x128xf32>
    %dot_general3A_80 = tpu.matmul %slice3A_78, %broadcast_in_dim3A_3, %dot_general3A_79 {dimension_numbers = #tpu.dot_dimension_numbers<[0], [0], [1], [1], [0, 1, 1, 1], [], []>, transpose_lhs_hint = false} : vector<1x256xf32>, vector<1x128xf32>, vector<256x128xf32> -> vector<256x128xf32>
    %eq3A_81 = vector.broadcast %convert_element_type3A_2 : vector<1x128xf32> to vector<256x128xf32>
    %eq3A_82 = arith.cmpf oeq, %dot_general3A_80, %eq3A_81 : vector<256x128xf32>
    %jit3A_83 = arith.constant 1.000000e+02 : f32
    %jit3A_84 = arith.constant -1.000000e+02 : f32
    %broadcast_in_dim3A_85 = vector.broadcast %jit3A_83 : f32 to vector<256x128xf32>
    %broadcast_in_dim3A_86 = vector.broadcast %jit3A_84 : f32 to vector<256x128xf32>
    %select_n3A_87 = arith.select %eq3A_82, %broadcast_in_dim3A_85, %broadcast_in_dim3A_86 : vector<256x128xi1>, vector<256x128xf32>
    %swap3A_88 = arith.constant 5 : index
    %swap3A_89 = arith.constant 0 : index
    %swap3A_90 = arith.constant 0 : index
    %swap3A_91 = vector.load %arg2[%swap3A_88, %swap3A_89, %swap3A_90] : memref<8x256x128xf32, #tpu.memory_space<vmem>>, vector<1x256x128xf32>
    %swap3A_92 = vector.shape_cast %swap3A_91 : vector<1x256x128xf32> to vector<256x128xf32>
    %swap3A_93 = vector.shape_cast %select_n3A_87 : vector<256x128xf32> to vector<1x256x128xf32>
    tpu.vector_store %arg2[%swap3A_88, %swap3A_89, %swap3A_90], %swap3A_93 {strides = array<i32>} : memref<8x256x128xf32, #tpu.memory_space<vmem>>, vector<1x256x128xf32>,
    %slice3A_94 = vector.extract_strided_slice %convert_element_type3A {offsets = [6, 0], sizes = [1, 256], strides = [1, 1]} : vector<8x256xf32> to vector<1x256xf32>
    %dot_general3A_95 = arith.constant dense<0.000000e+00> : vector<256x128xf32>
    %dot_general3A_96 = tpu.matmul %slice3A_94, %broadcast_in_dim3A_3, %dot_general3A_95 {dimension_numbers = #tpu.dot_dimension_numbers<[0], [0], [1], [1], [0, 1, 1, 1], [], []>, transpose_lhs_hint = false} : vector<1x256xf32>, vector<1x128xf32>, vector<256x128xf32> -> vector<256x128xf32>
    %eq3A_97 = vector.broadcast %convert_element_type3A_2 : vector<1x128xf32> to vector<256x128xf32>
    %eq3A_98 = arith.cmpf oeq, %dot_general3A_96, %eq3A_97 : vector<256x128xf32>
    %jit3A_99 = arith.constant 1.000000e+02 : f32
    %jit3A_100 = arith.constant -1.000000e+02 : f32
    %broadcast_in_dim3A_101 = vector.broadcast %jit3A_99 : f32 to vector<256x128xf32>
    %broadcast_in_dim3A_102 = vector.broadcast %jit3A_100 : f32 to vector<256x128xf32>
    %select_n3A_103 = arith.select %eq3A_98, %broadcast_in_dim3A_101, %broadcast_in_dim3A_102 : vector<256x128xi1>, vector<256x128xf32>
    %swap3A_104 = arith.constant 6 : index
    %swap3A_105 = arith.constant 0 : index
    %swap3A_106 = arith.constant 0 : index
    %swap3A_107 = vector.load %arg2[%swap3A_104, %swap3A_105, %swap3A_106] : memref<8x256x128xf32, #tpu.memory_space<vmem>>, vector<1x256x128xf32>
    %swap3A_108 = vector.shape_cast %swap3A_107 : vector<1x256x128xf32> to vector<256x128xf32>
    %swap3A_109 = vector.shape_cast %select_n3A_103 : vector<256x128xf32> to vector<1x256x128xf32>
    tpu.vector_store %arg2[%swap3A_104, %swap3A_105, %swap3A_106], %swap3A_109 {strides = array<i32>} : memref<8x256x128xf32, #tpu.memory_space<vmem>>, vector<1x256x128xf32>,
    %slice3A_110 = vector.extract_strided_slice %convert_element_type3A {offsets = [7, 0], sizes = [1, 256], strides = [1, 1]} : vector<8x256xf32> to vector<1x256xf32>
    %dot_general3A_111 = arith.constant dense<0.000000e+00> : vector<256x128xf32>
    %dot_general3A_112 = tpu.matmul %slice3A_110, %broadcast_in_dim3A_3, %dot_general3A_111 {dimension_numbers = #tpu.dot_dimension_numbers<[0], [0], [1], [1], [0, 1, 1, 1], [], []>, transpose_lhs_hint = false} : vector<1x256xf32>, vector<1x128xf32>, vector<256x128xf32> -> vector<256x128xf32>
    %eq3A_113 = vector.broadcast %convert_element_type3A_2 : vector<1x128xf32> to vector<256x128xf32>
    %eq3A_114 = arith.cmpf oeq, %dot_general3A_112, %eq3A_113 : vector<256x128xf32>
    %jit3A_115 = arith.constant 1.000000e+02 : f32
    %jit3A_116 = arith.constant -1.000000e+02 : f32
    %broadcast_in_dim3A_117 = vector.broadcast %jit3A_115 : f32 to vector<256x128xf32>
    %broadcast_in_dim3A_118 = vector.broadcast %jit3A_116 : f32 to vector<256x128xf32>
    %select_n3A_119 = arith.select %eq3A_114, %broadcast_in_dim3A_117, %broadcast_in_dim3A_118 : vector<256x128xi1>, vector<256x128xf32>
    %swap3A_120 = arith.constant 7 : index
    %swap3A_121 = arith.constant 0 : index
    %swap3A_122 = arith.constant 0 : index
    %swap3A_123 = vector.load %arg2[%swap3A_120, %swap3A_121, %swap3A_122] : memref<8x256x128xf32, #tpu.memory_space<vmem>>, vector<1x256x128xf32>
    %swap3A_124 = vector.shape_cast %swap3A_123 : vector<1x256x128xf32> to vector<256x128xf32>
    %swap3A_125 = vector.shape_cast %select_n3A_119 : vector<256x128xf32> to vector<1x256x128xf32>
    tpu.vector_store %arg2[%swap3A_120, %swap3A_121, %swap3A_122], %swap3A_125 {strides = array<i32>} : memref<8x256x128xf32, #tpu.memory_space<vmem>>, vector<1x256x128xf32>,
    return
  }
  func.func @transform_0(%arg0: i32) -> (i32, i32) {
    %c0_i32 = arith.constant 0 : i32
    %c0_i32_0 = arith.constant 0 : i32
    return %arg0, %c0_i32 : i32, i32
  }
  func.func @transform_1(%arg0: i32) -> (i32, i32, i32) {
    %c0_i32 = arith.constant 0 : i32
    %c0_i32_0 = arith.constant 0 : i32
    %c0_i32_1 = arith.constant 0 : i32
    return %arg0, %c0_i32, %c0_i32_0 : i32, i32, i32
  }
}

</mosaic_0001>

<sc_bundles>
// kernel: kernel.4.cloned.1.call-start
scs
__scs_entry_jumppad:
0x0: {  	(pc) =	sbr.rel $0x88, $3  }
0x1: {  	(tag) =	ssettag $0x0;
	lr =	simm.s32 $0x1  }
0x2: {  	[smem:$0x3FA0] =	sst lr;
	_ =	strace $0xD0000000  }
0x3: {  	_ = 	snop  }
0x4: {  	_ = 	snop  }
0x5: {  	_ = 	snop  }
0x6: {  	_ = 	snop  }
0x7: {  	_ = 	snop  }
__scs_overlays_trampoline_lowered:
0x8: {  	[smem:$0x3FAF] =	sst s0  }
0x9: {  	[smem:$0x3FB0] =	sst s1  }
0xa: {  	[smem:$0x3FB1] =	sst s2  }
0xb: {  	[smem:$0x3FB2] =	sst s3  }
0xc: {  	[smem:$0x3FB3] =	sst s4  }
0xd: {  	[smem:$0x3FB4] =	sst s5  }
0xe: {  	[smem:$0x3FB5] =	sst s6  }
0xf: {  	[smem:$0x3FB6] =	sst s7  }
0x10: {  	[smem:$0x3FB7] =	sst s8  }
0x11: {  	[smem:$0x3FB8] =	sst s9;
	s0 =	simm.s32 @!p0 $0x0  }
0x12: {  	s1 =	sld [smem:$0x3F9E];
	s0 =	simm.s32 @p0 $0x1  }
0x13: {  	[smem:$0x3FB9] =	sst s0;
	s0 =	simm.s32 @!p1 $0x0  }
0x14: {  	s2 =	sld [smem:$0x3F9D];
	s0 =	simm.s32 @p1 $0x1  }
0x15: {  	[smem:$0x3FBA] =	sst s0;
	s0 =	simm.s32 @!p2 $0x0  }
0x16: {  	s3 =	sld [smem:$0x3FDB];
	s0 =	simm.s32 @p2 $0x1  }
0x17: {  	s4 =	simm.s32 $0x1BF5;
	[smem:$0x3FBC] =	sst s0  }
0x18: {  	s0 =	sld [smem:$0x3F9F];
	_ =	swait.ge [sflag:s4], $0x0  }
0x19: {  	s7 =	sld [smem:$0x3FA0]  }
0x1a: {  	s8 =	sadd.s32 $0xFFFFE003, lr  }
0x1b: {  	s9 =	sadd.s32 $0xFFFFFEF7, lr;
	s5 =	simm.s32 $0xFFFFFFFF;
	p2 =	slt.u32 s8, $0xFFFFF086  }
0x1c: {  	p1 =	slt.u32 s9, $0xF7A;
	s5 =	simm.s32 @!p2 $0x0  }
0x1d: {  	s5 =	simm.s32 @p1 $0x1;
	p0 =	seq.s32 s7, s2  }
0x1e: {  	s7 =	smul.u32 @!p0 $0xF7A, s2;
	p2 =	seq.s32 @!p0 s5, $0x0  }
0x1f: {  	s9 =	smul.u32 $0xF7A, s1;
	s8 =	simm.s32 @!p0 $0x1BF5;
	p2 =	por !p2, p0  }
0x20: {  	[sflag:s8] =	ssyncset.s32 @!p0 $0xFFFFF086;
	s6 =	sadd.s32 @!p0 s3, s7;
	s7 =	simm.s32 @!p0 $0x108  }
0x21: {  	s3 =	sadd.s32 s3, s9;
	s6 =	sadd.s32 @!p0 $0x88, s6;
	s7 =	simm.s32 @p2 $0x1082  }
0x22: {  	[simem:s7], [sflag:s8] =	dma.local @!p0 [hbm:s6], $0xF7A  }
0x23: {  	s9 =	sor.u32 $0xD0000000, s2;
	s6 =	simm.s32 $0x108;
	_ =	swait.ge @!p0 [sflag:s8], $0x0  }
0x24: {  	s3 =	sadd.s32 $0x88, s3;
	s6 =	simm.s32 @!p1 $0x1082;
	[sflag:s4] =	ssyncset.s32 $0xFFFFF086  }
0x25: {  	[simem:s6], [sflag:s4] =	dma.local [hbm:s3], $0xF7A  }
0x26: {  	[smem:$0x3FA0] =	sst s1;
	(tag) =	ssettag s2;
	_ =	strace s9  }
0x27: {  	s1 =	sld [smem:$0x3FB0]  }
0x28: {  	s2 =	sld [smem:$0x3FB1]  }
0x29: {  	s4 =	sld [smem:$0x3FB3]  }
0x2a: {  	p0 =	seq.s32 s5, $0x0;
	s5 =	sld [smem:$0x3FB4]  }
0x2b: {  	s6 =	sld [smem:$0x3FB5]  }
0x2c: {  	s7 =	sld [smem:$0x3FB6]  }
0x2d: {  	s3 =	simm.s32 $0x108;
	s8 =	sld [smem:$0x3FB7]  }
0x2e: {  	s3 =	simm.s32 @!p0 $0x1082;
	s9 =	sld [smem:$0x3FB8]  }
0x2f: {  	lr =	sadd.s32 s0, s3;
	s0 =	sld [smem:$0x3FAF]  }
0x30: {  	s3 =	sld [smem:$0x3FB2]  }
0x31: {  	[smem:$0x3FBB] =	sst s10  }
0x32: {  	s10 =	sld [smem:$0x3FB9];
	_ =	sdelay $0x3  }
0x33: {  	p0 =	seq.s32 s10, $0x1;
	s10 =	sld [smem:$0x3FBB];
	_ =	sdelay $0x3  }
0x34: {  	[smem:$0x3FBB] =	sst s10  }
0x35: {  	s10 =	sld [smem:$0x3FBA];
	_ =	sdelay $0x3  }
0x36: {  	p1 =	seq.s32 s10, $0x1;
	s10 =	sld [smem:$0x3FBB];
	_ =	sdelay $0x3  }
0x37: {  	[smem:$0x3FBB] =	sst s10  }
0x38: {  	s10 =	sld [smem:$0x3FBC]  }
0x39: {  	_ = 	snop;
	(pc) =	sbr.ind lr, $3  }
0x3a: {  	_ = 	snop  }
0x3b: {  	_ = 	snop  }
0x3c: {  	p2 =	seq.s32 s10, $0x1;
	s10 =	sld [smem:$0x3FBB]  }
0x3d: {  	_ =	shalt  }
0x3e: {  	_ =	shalt  }
0x3f: {  	_ =	shalt  }
0x40: {  	_ =	shalt  }
0x41: {  	_ =	shalt  }
0x42: {  	_ =	shalt  }
0x43: {  	_ =	shalt  }
0x44: {  	_ =	shalt  }
0x45: {  	_ =	shalt  }
0x46: {  	_ =	shalt  }
0x47: {  	_ =	shalt  }
0x48: {  	_ =	shalt  }
0x49: {  	_ =	shalt  }
0x4a: {  	_ =	shalt  }
0x4b: {  	_ =	shalt  }
0x4c: {  	_ =	shalt  }
0x4d: {  	_ =	shalt  }
0x4e: {  	_ =	shalt  }
0x4f: {  	_ =	shalt  }
0x50: {  	_ =	shalt  }
0x51: {  	_ =	shalt  }
0x52: {  	_ =	shalt  }
0x53: {  	_ =	shalt  }
0x54: {  	_ =	shalt  }
0x55: {  	_ =	shalt  }
0x56: {  	_ =	shalt  }
0x57: {  	_ =	shalt  }
0x58: {  	_ =	shalt  }
0x59: {  	_ =	shalt  }
0x5a: {  	_ =	shalt  }
0x5b: {  	_ =	shalt  }
0x5c: {  	_ =	shalt  }
0x5d: {  	_ =	shalt  }
0x5e: {  	_ =	shalt  }
0x5f: {  	_ =	shalt  }
0x60: {  	_ =	shalt  }
0x61: {  	_ =	shalt  }
0x62: {  	_ =	shalt  }
0x63: {  	_ =	shalt  }
0x64: {  	_ =	shalt  }
0x65: {  	_ =	shalt  }
0x66: {  	_ =	shalt  }
0x67: {  	_ =	shalt  }
0x68: {  	_ =	shalt  }
0x69: {  	_ =	shalt  }
0x6a: {  	_ =	shalt  }
0x6b: {  	_ =	shalt  }
0x6c: {  	_ =	shalt  }
0x6d: {  	_ =	shalt  }
0x6e: {  	_ =	shalt  }
0x6f: {  	_ =	shalt  }
0x70: {  	_ =	shalt  }
0x71: {  	_ =	shalt  }
0x72: {  	_ =	shalt  }
0x73: {  	_ =	shalt  }
0x74: {  	_ =	shalt  }
0x75: {  	_ =	shalt  }
0x76: {  	_ =	shalt  }
0x77: {  	_ =	shalt  }
0x78: {  	_ =	shalt  }
0x79: {  	_ =	shalt  }
0x7a: {  	_ =	shalt  }
0x7b: {  	_ =	shalt  }
0x7c: {  	_ =	shalt  }
0x7d: {  	_ =	shalt  }
0x7e: {  	_ =	shalt  }
0x7f: {  	_ =	shalt  }
0x80: {  	_ =	shalt  }
0x81: {  	_ =	shalt  }
0x82: {  	_ =	shalt  }
0x83: {  	_ =	shalt  }
0x84: {  	_ =	shalt  }
0x85: {  	_ =	shalt  }
0x86: {  	_ =	shalt  }
0x87: {  	_ =	shalt  }
.Lfunc_end0:
.L_simem_size_0:
called_computation_lowered:
.L_overlay_start_0:
0x88: {  	s2 =	sld [smem:$0x3FD9]  }
0x89: {  	s3 =	sld [smem:$0x3FFE];
	_ =	sdelay $0x1  }
0x8a: {  	s1 =	srdreg.scid  }
0x8b: {  	s0 =	sand.u32 $0x1, s1  }
0x8c: {  	s14 =	sshll.u32 s0, $0xA;
	s2 =	sadd.s32 s3, s2  }
0x8d: {  	s2 =	sadd.s32 s2, s14  }
0x8e: {  	[smem:$0x3FC7] =	sst s2  }
0x8f: {  	_ = 	snop  }
0x90: {  	s2 =	sld [smem:$0x3FD0];
	_ =	sdelay $0x2  }
0x91: {  	s15 =	simm.s32 $0xA;
	s4 =	simm.s32 $0x10  }
0x92: {  	[smem:s4], [sflag:s15] =	dma.local [hbm:s2], $0x1  }
0x93: {  	_ =	swait.eq [sflag:s15], $0x1  }
0x94: {  	[sflag:s15] =	ssyncset.done $0x0  }
0x95: {  	[sflag:s15] =	ssyncadd.s32 $0xFFFFFFFF  }
0x96: {  	s16 =	sld [smem:$0x11];
	(tm) =	ssettm $0x1  }
0x97: {  	s17 =	sld [smem:$0x3FFB];
	_ =	sdelay $0x3  }
0x98: {  	_ =	strace s17  }
0x99: {  	s3 =	sld [smem:$0x3FFC];
	_ =	sdelay $0x3  }
0x9a: {  	_ =	strace s3  }
0x9b: {  	s3 =	sld [smem:$0x3FFD];
	_ =	sdelay $0x3  }
0x9c: {  	_ =	strace s3  }
0x9d: {  	_ =	strace $0x8FFFFFFF  }
0x9e: {  	s18 =	sld [smem:$0x3FDB];
	_ =	sdelay $0x1  }
0x9f: {  	s19 =	simm.s32 $_scs_section_size  }
0xa0: {  	s5 =	simm.s32 $_size__tile_overlayer_lowered;
	s6 =	simm.s32 $_tile_overlayer_lowered  }
0xa1: {  	s22 =	simm.s32 $0x1BFF;
	s21 =	sshll.u32 s6, $0x1;
	s3 =	sadd.s32 s19, s18  }
0xa2: {  	s7 =	simm.s32 $0x0;
	s20 =	sshll.u32 s5, $0x1;
	s5 =	sadd.s32 s21, s3  }
0xa3: {  	[timem:s7], [sflag:s22] =	dma.local [hbm:s5], s20  }
0xa4: {  	_ =	swait.ge [sflag:s22], s20  }
0xa5: {  	s4 =	ssub.s32 $0x0, s20;
	[sflag:s22] =	ssyncset.done $0x0  }
0xa6: {  	[sflag:s22] =	ssyncadd.s32 s4;
	_ =	sdelay $0x1  }
0xa7: {  	s23 =	simm.s32 $0x1B8B  }
0xa8: {  	_ =	swait.ge [sflag:s23], $0x1  }
0xa9: {  	[sflag:s23] =	ssyncset.done $0x0  }
0xaa: {  	s25 =	simm.s32 $0x1B8E;
	s24 =	sld [smem:$0x3FFE];
	[sflag:s23] =	ssyncadd.s32 $0xFFFFFFFF  }
0xab: {  	s26 =	simm.s32 $execute0_lowered;
	[smem:$0x3FD2] =	sst s25  }
0xac: {  	s5 =	sshll.u32 s26, $0x1;
	_ =	strace $0x80000046;
	[dreg:$0x1] =	wrdreg $0xFFFFFFFF  }
0xad: {  	s28 =	simm.s32 $_size_execute0_lowered;
	s3 =	sadd.s32 s3, s5;
	[dreg:$0x0] =	wrdreg $0x0  }
0xae: {  	s5 =	sshll.u32 s28, $0x1;
	[dreg:$0x2] =	wrdreg s3  }
0xaf: {  	[dreg:$0x3] =	wrdreg s5  }
0xb0: {  	[dreg:$0x4] =	wrdreg $0xC0  }
0xb1: {  	_ =	task [dreg:s7], $0x5FFFF  }
0xb2: {  	[dreg:$0x1] =	wrdreg $0xFFFFFFFF  }
0xb3: {  	[dreg:$0x0] =	wrdreg $0x60  }
0xb4: {  	[dreg:$0x2] =	wrdreg s24  }
0xb5: {  	[dreg:$0x3] =	wrdreg s16  }
0xb6: {  	[dreg:$0x4] =	wrdreg $0x9  }
0xb7: {  	_ =	task.clear_ibuf [dreg:s7], $0x5FFFF;
	_ =	strace $0x90000046  }
0xb8: {  	s29 =	simm.s32 $0x9;
	_ =	strace $0x80000048  }
0xb9: {  	_ =	swait.ge [sflag:s29], $0x1  }
0xba: {  	[sflag:s29] =	ssyncadd.s32 $0xFFFFFFFF  }
0xbb: {  	_ =	strace $0x90000048  }
0xbc: {  	_ =	sfence  }
0xbd: {  	s30 =	sld [smem:$0x0];
	_ =	sdelay $0x2  }
0xbe: {  	s31 =	sshll.u32 s1, $0xD;
	s1 =	sshrl.u32 s1, $0x2  }
0xbf: {  	s3 =	sand.u32 $0x4000, s31;
	s1 =	sadd.s32 s1, s30  }
0xc0: {  	s0 =	sor.u32 s3, s0;
	s1 =	sshll.u32 s1, $0x11  }
0xc1: {  	s0 =	sor.u32 s1, s0  }
0xc2: {  	s0 =	sadd.s32 $0x8F2B, s0  }
0xc3: {  	[sflag:s0] =	ssyncadd.remote.s32 $0x1  }
0xc4: {  	_ =	sfence.sel $0xFFFF  }
0xc5: {  	[dreg:$0x0] =	wrdreg $0xFFFFFFFF;
	(pc) =	sbr.abs _section_cstart, $3  }
0xc6: {  	[dreg:$0x1] =	wrdreg $0xFFFFFFFF  }
0xc7: {  	_ =	task.clear_ibuf [dreg:s7], $0x2FFFF;
	_ =	strace $0x9FFFFFFF  }
0xc8: {  	(tm) =	ssettm $0x7FFFFFFF  }
0xc9: {  	_ =	shalt  }
tec
execute0_lowered:
.L_overlay_start_1:
0x0: {  	(tag) =	ssettag $0x1  }
0x1: {  	s4 =	rddreg [dreg:$0x0]  }
0x2: {  	s1 =	rddreg [dreg:$0x1]  }
0x3: {  	s0 =	rddreg [dreg:$0x2];
	s2 =	simm.s32 $0x0;
	s3 =	srdreg.scid  }
0x4: {  	[smem:$0x7FF] =	sst s2;
	s5 =	sand.u32 $0x1, s3  }
0x5: {  	v0 =	vlaneseq.u32;
	s3 =	stileid.u32;
	s4 =	sadd.s32 $0x1400, s4;
	s6 =	ssub.s32 $0x2, s5  }
0x6: {  	v1 =	vimm.f32 $-1.000000000e+02;
	v2 =	vimm.f32 $1.000000000e+02;
	v3 =	vor.u32 $0x10, v0;
	s5 =	sshll.u32 s5, $0x5;
	s8 =	sshll.u32 s3, $0x1;
	s7 =	sshrl.u32 s6, $0x1  }
0x7: {  	v4 =	vor.u32 $0x20, v0;
	v5 =	vor.u32 $0x30, v0;
	v6 =	vor.u32 $0x40, v0;
	_ =	strace $0x80000047;
	s5 =	sor.u32 s8, s5;
	s6 =	ssub.s32 s6, s7  }
0x8: {  	v7 =	vor.u32 $0x50, v0;
	v8 =	vor.u32 $0x60, v0;
	v9 =	vor.u32 $0x70, v0;
	s8 =	simm.s32 $0x880;
	s7 =	simm.s32 $0x1;
	s6 =	smax.u32 s6, $0x1  }
.LBB2_1:
0x9: {  	s9 =	simm.s32 $0x0  }
.LBB2_2:
0xa: {  	p0 =	sne.s32 s9, $0x10FC0  }
.Ltmp0:
0xb: {  	_ = 	snop;
	(pc) =	sbr.rel @p0 .LBB2_2-.Ltmp0, $3  }
0xc: {  	_ =	sdelay $0x1  }
0xd: {  	s10 =	sshra.s32 s9, $0x2  }
0xe: {  	s9 =	sadd.s32 $0x40, s9;
	[tilespmem:s10+$0x880] =	vst v1  }
0xf: {  	s9 =	simm.s32 $0x0;
	p1 =	por $0x1, $0x1  }
.LBB2_4:
0x10: {  	s10 =	sor.u32 s5, s9  }
0x11: {  	s9 =	smul.u32 $0x7F80, s10  }
0x12: {  	p0 =	por p1, p1;
	s11 =	simm.s32 $0x0;
	s10 =	smul.u32 $0x3FC00, s10  }
.LBB2_5:
0x13: {  	s12 =	smul.u32 $0x880, s11;
	_ =	sdelay $0x1  }
0x14: {  	s12 =	sadd.s32 s9, s12  }
0x15: {  	s12 =	sshrl.u32 s12, $0x3  }
0x16: {  	s13 =	sadd.s32 s4, s12;
	s12 =	simm.s32 $0x0  }
0x17: {  	[tilespmem:s12], [sflag:$0x1] =	stream.linear.gather [hbm4b:s13+s12], $0x880, $0x38;
	[tilespmem:$0x4C80] =	vst v63  }
0x18: {  	_ =	swait.ge [sflag:s7], $0x880  }
0x19: {  	[sflag:s7] =	ssyncset.done $0x0  }
0x1a: {  	s13 =	simm.s32 $0x40;
	[sflag:s7] =	ssyncadd.s32 $0xFFFFF780  }
.LBB2_6:
0x1b: {  	v10 =	vld [tilespmem:s13+$0xFFFFFFC0]  }
0x1c: {  	v11 =	vmov s12  }
0x1d: {  	v11 =	vshrl.u32 v11, $0x7  }
0x1e: {  	v11 =	vbroadcast v11, $0x0;
	_ =	sdelay $0x1  }
0x1f: {  	v10 =	vadd.s32 v11, v10  }
0x20: {  	v10 =	vshll.u32 v10, $0x7  }
0x21: {  	v10 =	vor.u32 v0, v10;
	_ =	sdelay $0x4  }
0x22: {  	[tilespmem:v10+s8+$0x0] =	vst.idx.msk $0xffff, v2  }
0x23: {  	v10 =	vld [tilespmem:s13+$0xFFFFFFD0];
	_ =	sdelay $0x4  }
0x24: {  	v10 =	vadd.s32 v11, v10  }
0x25: {  	v10 =	vshll.u32 v10, $0x7  }
0x26: {  	v10 =	vor.u32 v3, v10;
	_ =	sdelay $0x4  }
0x27: {  	[tilespmem:v10+s8+$0x0] =	vst.idx.msk $0xffff, v2  }
0x28: {  	v10 =	vld [tilespmem:s13+$0xFFFFFFE0];
	_ =	sdelay $0x4  }
0x29: {  	v10 =	vadd.s32 v11, v10  }
0x2a: {  	v10 =	vshll.u32 v10, $0x7  }
0x2b: {  	v10 =	vor.u32 v4, v10;
	_ =	sdelay $0x4  }
0x2c: {  	[tilespmem:v10+s8+$0x0] =	vst.idx.msk $0xffff, v2  }
0x2d: {  	v10 =	vld [tilespmem:s13+$0xFFFFFFF0];
	_ =	sdelay $0x4  }
0x2e: {  	v10 =	vadd.s32 v11, v10  }
0x2f: {  	v10 =	vshll.u32 v10, $0x7  }
0x30: {  	v10 =	vor.u32 v5, v10;
	_ =	sdelay $0x4  }
0x31: {  	[tilespmem:v10+s8+$0x0] =	vst.idx.msk $0xffff, v2  }
0x32: {  	v10 =	vld [tilespmem:s13+$0x0];
	_ =	sdelay $0x4  }
0x33: {  	v10 =	vadd.s32 v11, v10  }
0x34: {  	v10 =	vshll.u32 v10, $0x7  }
0x35: {  	v10 =	vor.u32 v6, v10;
	_ =	sdelay $0x4  }
0x36: {  	[tilespmem:v10+s8+$0x0] =	vst.idx.msk $0xffff, v2  }
0x37: {  	v10 =	vld [tilespmem:s13+$0x10];
	_ =	sdelay $0x4  }
0x38: {  	v10 =	vadd.s32 v11, v10  }
0x39: {  	v10 =	vshll.u32 v10, $0x7  }
0x3a: {  	v10 =	vor.u32 v7, v10;
	_ =	sdelay $0x4  }
0x3b: {  	[tilespmem:v10+s8+$0x0] =	vst.idx.msk $0xffff, v2  }
0x3c: {  	v10 =	vld [tilespmem:s13+$0x20];
	_ =	sdelay $0x4  }
0x3d: {  	v10 =	vadd.s32 v11, v10  }
0x3e: {  	v10 =	vshll.u32 v10, $0x7  }
0x3f: {  	v10 =	vor.u32 v8, v10;
	_ =	sdelay $0x4  }
0x40: {  	[tilespmem:v10+s8+$0x0] =	vst.idx.msk $0xffff, v2  }
0x41: {  	v10 =	vld [tilespmem:s13+$0x30];
	_ =	sdelay $0x4  }
0x42: {  	v10 =	vadd.s32 v11, v10  }
0x43: {  	v10 =	vshll.u32 v10, $0x7  }
0x44: {  	p1 =	sne.s32 s12, $0x4000;
	v10 =	vor.u32 v9, v10  }
.Ltmp1:
0x45: {  	_ = 	snop;
	(pc) =	sbr.rel @p1 .LBB2_6-.Ltmp1, $2  }
0x46: {  	_ =	sdelay $0x2  }
0x47: {  	s12 =	sadd.s32 $0x400, s12;
	s13 =	sadd.s32 $0x80, s13;
	[tilespmem:v10+s8+$0x0] =	vst.idx.msk $0xffff, v2  }
0x48: {  	s12 =	smul.u32 $0x4400, s11;
	_ =	sdelay $0x1  }
0x49: {  	s12 =	sadd.s32 s10, s12  }
0x4a: {  	s12 =	sshrl.u32 s12, $0x3  }
0x4b: {  	s13 =	sadd.s32 s1, s12;
	s12 =	simm.s32 $0x0  }
0x4c: {  	[hbm4b:s13+s12] =	stream.linear.scatter [tilespmem:s8], [sflag:$0x1], $0x4400, $0x38;
	[tilespmem:$0x4C80] =	vst v63  }
0x4d: {  	_ =	swait.ge [sflag:s7], $0x4400  }
0x4e: {  	[sflag:s7] =	ssyncset.done $0x0  }
0x4f: {  	s13 =	simm.s32 $0x40;
	[sflag:s7] =	ssyncadd.s32 $0xFFFFBC00  }
.LBB2_8:
0x50: {  	v10 =	vld [tilespmem:s13+$0xFFFFFFC0]  }
0x51: {  	v11 =	vmov s12  }
0x52: {  	v11 =	vshrl.u32 v11, $0x7  }
0x53: {  	v11 =	vbroadcast v11, $0x0;
	_ =	sdelay $0x1  }
0x54: {  	v10 =	vadd.s32 v11, v10  }
0x55: {  	v10 =	vshll.u32 v10, $0x7  }
0x56: {  	v10 =	vor.u32 v0, v10;
	_ =	sdelay $0x4  }
0x57: {  	[tilespmem:v10+s8+$0x0] =	vst.idx.msk $0xffff, v1  }
0x58: {  	v10 =	vld [tilespmem:s13+$0xFFFFFFD0];
	_ =	sdelay $0x4  }
0x59: {  	v10 =	vadd.s32 v11, v10  }
0x5a: {  	v10 =	vshll.u32 v10, $0x7  }
0x5b: {  	v10 =	vor.u32 v3, v10;
	_ =	sdelay $0x4  }
0x5c: {  	[tilespmem:v10+s8+$0x0] =	vst.idx.msk $0xffff, v1  }
0x5d: {  	v10 =	vld [tilespmem:s13+$0xFFFFFFE0];
	_ =	sdelay $0x4  }
0x5e: {  	v10 =	vadd.s32 v11, v10  }
0x5f: {  	v10 =	vshll.u32 v10, $0x7  }
0x60: {  	v10 =	vor.u32 v4, v10;
	_ =	sdelay $0x4  }
0x61: {  	[tilespmem:v10+s8+$0x0] =	vst.idx.msk $0xffff, v1  }
0x62: {  	v10 =	vld [tilespmem:s13+$0xFFFFFFF0];
	_ =	sdelay $0x4  }
0x63: {  	v10 =	vadd.s32 v11, v10  }
0x64: {  	v10 =	vshll.u32 v10, $0x7  }
0x65: {  	v10 =	vor.u32 v5, v10;
	_ =	sdelay $0x4  }
0x66: {  	[tilespmem:v10+s8+$0x0] =	vst.idx.msk $0xffff, v1  }
0x67: {  	v10 =	vld [tilespmem:s13+$0x0];
	_ =	sdelay $0x4  }
0x68: {  	v10 =	vadd.s32 v11, v10  }
0x69: {  	v10 =	vshll.u32 v10, $0x7  }
0x6a: {  	v10 =	vor.u32 v6, v10;
	_ =	sdelay $0x4  }
0x6b: {  	[tilespmem:v10+s8+$0x0] =	vst.idx.msk $0xffff, v1  }
0x6c: {  	v10 =	vld [tilespmem:s13+$0x10];
	_ =	sdelay $0x4  }
0x6d: {  	v10 =	vadd.s32 v11, v10  }
0x6e: {  	v10 =	vshll.u32 v10, $0x7  }
0x6f: {  	v10 =	vor.u32 v7, v10;
	_ =	sdelay $0x4  }
0x70: {  	[tilespmem:v10+s8+$0x0] =	vst.idx.msk $0xffff, v1  }
0x71: {  	v10 =	vld [tilespmem:s13+$0x20];
	_ =	sdelay $0x4  }
0x72: {  	v10 =	vadd.s32 v11, v10  }
0x73: {  	v10 =	vshll.u32 v10, $0x7  }
0x74: {  	v10 =	vor.u32 v8, v10;
	_ =	sdelay $0x4  }
0x75: {  	[tilespmem:v10+s8+$0x0] =	vst.idx.msk $0xffff, v1  }
0x76: {  	v10 =	vld [tilespmem:s13+$0x30];
	_ =	sdelay $0x4  }
0x77: {  	v10 =	vadd.s32 v11, v10  }
0x78: {  	v10 =	vshll.u32 v10, $0x7  }
0x79: {  	p1 =	sne.s32 s12, $0x4000;
	v10 =	vor.u32 v9, v10  }
.Ltmp2:
0x7a: {  	_ = 	snop;
	(pc) =	sbr.rel @p1 .LBB2_8-.Ltmp2, $2  }
0x7b: {  	_ =	sdelay $0x2  }
0x7c: {  	s12 =	sadd.s32 $0x400, s12;
	s13 =	sadd.s32 $0x80, s13;
	[tilespmem:v10+s8+$0x0] =	vst.idx.msk $0xffff, v1  }
0x7d: {  	s11 =	sadd.s32 $0x1, s11  }
0x7e: {  	p1 =	sne.s32 s11, $0xF  }
.Ltmp3:
0x7f: {  	_ = 	snop;
	(pc) =	sbr.rel @p1 .LBB2_5-.Ltmp3, $1  }
0x80: {  	_ =	sdelay $0x3  }
.Ltmp4:
0x81: {  	(pc) =	sbr.rel @p0 .LBB2_4-.Ltmp4, $2  }
0x82: {  	_ =	sdelay $0x2  }
0x83: {  	s9 =	simm.s32 $0x1;
	p1 =	por $0x0, $0x0  }
0x84: {  	s2 =	sadd.s32 $0x1, s2  }
0x85: {  	p0 =	sne.s32 s2, s6  }
.Ltmp5:
0x86: {  	_ = 	snop;
	(pc) =	sbr.rel @p0 .LBB2_1-.Ltmp5, $1  }
0x87: {  	_ =	sdelay $0x3  }
0x88: {  	_ =	sfence.sel $0x180000  }
0x89: {  	[bflag:$0x0] =	sbarrier.arrive $0xFFFF  }
0x8a: {  	p0 =	sne.s32 s3, $0x0;
	_ =	strace $0x90000047  }
0x8b: {  	s0 =	sadd.s32 @!p0 $0x100000, s0;
	[bflag:$0x2] =	sbarrier.arrive $0xFFFF  }
0x8c: {  	[sflag:s0] =	ssyncadd.tile.s32 @!p0 $0x1;
	_ =	shalt  }
.Lfunc_end2:
_tile_overlayer_lowered:
.L_overlay_start_2:
0x8d: {  	(tag) =	ssettag $0x2  }
0x8e: {  	s0 =	rddreg [dreg:$0x0];
	s2 =	stileid.u32  }
0x8f: {  	s1 =	rddreg [dreg:$0x1];
	p0 =	sne.s32 s2, $0x0  }
0x90: {  	s3 =	rddreg [dreg:$0x2];
	[bflag:$0x3] =	sbarrier.arrive $0xFFFF;
	s2 =	simm.s32 @!p0 $0x1C01  }
0x91: {  	[timem:s3], [sflag:s2] =	dma.local @!p0 [hbm:s0], s1  }
0x92: {  	s0 =	simm.s32 @!p0 $0x1  }
0x93: {  	_ =	swait.ge @!p0 [sflag:s0], s1  }
0x94: {  	s1 =	ssub.s32 @!p0 $0x0, s1;
	[sflag:s0] =	ssyncset.done @!p0 $0x0  }
0x95: {  	[sflag:s0] =	ssyncadd.s32 @!p0 s1  }
0x96: {  	[bflag:$0x3] =	sbarrier.arrive $0xFFFF  }
0x97: {  	_ =	shalt  }

</sc_bundles>
